<compile_context>
chip_gen: v7x
topology: tpu7x:2x2x1
jax: 0.10.2.dev20260603
libtpu: 0.0.44.dev20260713+nightly
codegen_flags: <defaults>
</compile_context>

<pallas_src>
import functools

import jax
import jax.numpy as jnp
from jax import lax
from jax.experimental import pallas as pl
from jax.experimental.pallas import tpu as pltpu, tpu_sc as plsc

N = 10000
E = 320000
D = 128
G = 64

F32 = jnp.float32

_NC = 2
_NS = 16
_NW = _NC * _NS
_NPAD = 10240
_RPW = _NPAD // _NW
_EPW = E // _NW
_CH = 80
_NCHUNK = _EPW // _CH
_SCH = 512
_NSCAN = E // _SCH

_iota16 = functools.partial(lax.iota, jnp.int32)


def _splat(x):
    return lax.broadcast(x, (16,))



def _gather_scale_kernel(x_hbm, src_hbm, ea_hbm, z_hbm, src_v, ea_v, rows_v,
                         sem):
    c = lax.axis_index("c")
    s = lax.axis_index("s")
    wid = c * _NS + s

    def chunk(k, carry):
        base = wid * _EPW + k * _CH
        pltpu.sync_copy(src_hbm.at[pl.ds(base, _CH)], src_v)
        pltpu.sync_copy(ea_hbm.at[pl.ds(base, _CH)], ea_v)
        pltpu.async_copy(x_hbm.at[src_v], rows_v, sem).wait()

        def edge(i, carry2):
            ri = _splat(i)
            eab = plsc.load_gather(ea_v, [ri])
            for j in range(8):
                ci = j * 16 + _iota16(16)
                v = plsc.load_gather(rows_v, [ri, ci])
                plsc.store_scatter(rows_v, [ri, ci], v * eab)
            return carry2

        lax.fori_loop(0, _CH, edge, 0, unroll=4)
        pltpu.sync_copy(rows_v, z_hbm.at[pl.ds(base, _CH)])
        return carry

    lax.fori_loop(0, _NCHUNK, chunk, 0)


@jax.jit
def _gather_scale(x, src, ea):
    mesh = plsc.VectorSubcoreMesh(core_axis_name="c", subcore_axis_name="s")
    f = functools.partial(
        pl.kernel,
        mesh=mesh,
        out_type=jax.ShapeDtypeStruct((E, D), F32),
        scratch_types=[
            pltpu.VMEM((_CH,), jnp.int32),
            pltpu.VMEM((_CH,), F32),
            pltpu.VMEM((_CH, D), F32),
            pltpu.SemaphoreType.DMA,
        ],
        compiler_params=pltpu.CompilerParams(needs_layout_passes=False),
    )(_gather_scale_kernel)
    return f(x, src, ea)



def _aggregate_kernel(m_hbm, dst_hbm, zero_hbm, a_hbm,
                      dstc_v, elist_v, dloc_v, rows_v, acc_v, sem):
    c = lax.axis_index("c")
    s = lax.axis_index("s")
    wid = c * _NS + s
    lo = wid * _RPW

    pltpu.sync_copy(zero_hbm.at[pl.ds(0, _RPW)], acc_v)
    zero16i = jnp.zeros((16,), jnp.int32)
    for b in range(_SCH // 16):
        elist_v[pl.ds(b * 16, 16)] = zero16i
        dloc_v[pl.ds(b * 16, 16)] = zero16i

    los = _splat(lo)
    his = _splat(lo + _RPW)

    def chunk(kc, carry):
        base = kc * _SCH
        pltpu.sync_copy(dst_hbm.at[pl.ds(base, _SCH)], dstc_v)
        def scan16(b, kpos):
            v = dstc_v[pl.ds(b * 16, 16)]
            mask = (v >= los) & (v < his)
            pref = plsc.cumsum(jnp.where(mask, 1, 0))
            pos = _splat(kpos) + pref - 1
            evals = _splat(base + b * 16) + _iota16(16)
            plsc.store_scatter(elist_v, [pos], evals, mask=mask)
            plsc.store_scatter(dloc_v, [pos], v - los, mask=mask)
            return kpos + jnp.max(pref)

        k = lax.fori_loop(0, _SCH // 16, scan16, jnp.int32(0))

        def sub(jg, carry2):
            cp = pltpu.async_copy(
                m_hbm.at[elist_v.at[pl.ds(jg * 16, 16)]],
                rows_v.at[pl.ds(jg * 16, 16)], sem)
            cp.wait()
            return carry2

        lax.fori_loop(0, (k + 15) // 16, sub, 0)

        def edge(i, carry2):
            ri = _splat(i)
            dl = plsc.load_gather(dloc_v, [ri])
            for j in range(8):
                ci = j * 16 + _iota16(16)
                v = plsc.load_gather(rows_v, [ri, ci])
                plsc.addupdate_scatter(acc_v, [dl, ci], v)
            return carry2

        lax.fori_loop(0, k, edge, 0)
        return carry

    lax.fori_loop(0, _NSCAN, chunk, 0)
    pltpu.sync_copy(acc_v, a_hbm.at[pl.ds(lo, _RPW)])


@jax.jit
def _aggregate(m, dst, zero):
    mesh = plsc.VectorSubcoreMesh(core_axis_name="c", subcore_axis_name="s")
    f = functools.partial(
        pl.kernel,
        mesh=mesh,
        out_type=jax.ShapeDtypeStruct((_NPAD, D), F32),
        scratch_types=[
            pltpu.VMEM((_SCH,), jnp.int32),
            pltpu.VMEM((_SCH,), jnp.int32),
            pltpu.VMEM((_SCH,), jnp.int32),
            pltpu.VMEM((_SCH, D), F32),
            pltpu.VMEM((_RPW, D), F32),
            pltpu.SemaphoreType.DMA,
        ],
        compiler_params=pltpu.CompilerParams(needs_layout_passes=False),
    )(_aggregate_kernel)
    return f(m, dst, zero)



_BME = 2000
_BM = 2000


def _dot(a, b):
    return jnp.dot(a, b, preferred_element_type=F32)


def _edge_mlp_body(z_ref, we1_ref, be1_ref, we2_ref, be2_ref, m_ref):
    h = jnp.maximum(_dot(z_ref[...], we1_ref[...]) + be1_ref[...], 0.0)
    m_ref[...] = _dot(h, we2_ref[...]) + be2_ref[...]


def _edge_mlp(z, we1, be1, we2, be2):
    vec = pl.BlockSpec((1, D), lambda i: (0, 0))
    mat = pl.BlockSpec((D, D), lambda i: (0, 0))
    blk = pl.BlockSpec((_BME, D), lambda i: (i, 0))
    return pl.pallas_call(
        _edge_mlp_body,
        grid=(E // _BME,),
        in_specs=[blk, mat, vec, mat, vec],
        out_specs=blk,
        out_shape=jax.ShapeDtypeStruct((E, D), F32),
    )(z, we1, be1, we2, be2)


def _tmat_body(x_ref, a_ref, wn1_ref, bn1_ref, t_ref):
    h = x_ref[...] + a_ref[...]
    t_ref[...] = _dot(h, wn1_ref[...]) + bn1_ref[...]


def _tmat(x, a, wn1, bn1):
    vec = pl.BlockSpec((1, D), lambda i: (0, 0))
    mat = pl.BlockSpec((D, D), lambda i: (0, 0))
    blk = pl.BlockSpec((_BM, D), lambda i: (i, 0))
    return pl.pallas_call(
        _tmat_body,
        grid=(N // _BM,),
        in_specs=[blk, blk, mat, vec],
        out_specs=blk,
        out_shape=jax.ShapeDtypeStruct((N, D), F32),
    )(x, a, wn1, bn1)


def _apply_body(t_ref, mu_ref, var_ref, g_ref, bt_ref, wn2_ref, bn2_ref,
                x1_ref):
    th = ((t_ref[...] - mu_ref[...]) * lax.rsqrt(var_ref[...] + 1e-5)
          * g_ref[...] + bt_ref[...])
    u = _dot(jnp.maximum(th, 0.0), wn2_ref[...]) + bn2_ref[...]
    x1_ref[...] = jnp.maximum(u, 0.0)


def _apply(t, mu, var, g, bt, wn2, bn2):
    vec = pl.BlockSpec((1, D), lambda i: (0, 0))
    mat = pl.BlockSpec((D, D), lambda i: (0, 0))
    blk = pl.BlockSpec((_BM, D), lambda i: (i, 0))
    return pl.pallas_call(
        _apply_body,
        grid=(N // _BM,),
        in_specs=[blk, vec, vec, vec, vec, mat, vec],
        out_specs=blk,
        out_shape=jax.ShapeDtypeStruct((N, D), F32),
    )(t, mu, var, g, bt, wn2, bn2)


def _pool_body(hf_ref, p_ref, psum_ref, pcnt_ref):
    hf = hf_ref[...]
    p = p_ref[...]

    @pl.when(pl.program_id(0) == 0)
    def _():
        psum_ref[...] = jnp.zeros_like(psum_ref)
        pcnt_ref[...] = jnp.zeros_like(pcnt_ref)

    psum_ref[...] += lax.dot_general(p, hf, (((0,), (0,)), ((), ())),
                                     preferred_element_type=F32,
                                     precision=lax.Precision.HIGHEST)
    pcnt_ref[...] += lax.dot_general(p, jnp.ones_like(hf),
                                     (((0,), (0,)), ((), ())),
                                     preferred_element_type=F32)


def _pool(hf, p):
    return pl.pallas_call(
        _pool_body,
        grid=(N // _BM,),
        in_specs=[pl.BlockSpec((_BM, D), lambda i: (i, 0)),
                  pl.BlockSpec((_BM, G), lambda i: (i, 0))],
        out_specs=[pl.BlockSpec((G, D), lambda i: (0, 0)),
                   pl.BlockSpec((G, D), lambda i: (0, 0))],
        out_shape=[jax.ShapeDtypeStruct((G, D), F32),
                   jax.ShapeDtypeStruct((G, D), F32)],
    )(hf, p)


def _final_body(psum_ref, pcnt_ref, wf1_ref, bf1_ref, gf_ref, btf_ref,
                wf2_ref, bf2_ref, o_ref):
    pooled = psum_ref[...] / jnp.maximum(pcnt_ref[...], 1.0)
    o1 = jnp.dot(pooled.astype(jnp.bfloat16),
                 wf1_ref[...].astype(jnp.bfloat16),
                 preferred_element_type=F32) + bf1_ref[...]
    mu = jnp.mean(o1, axis=0, keepdims=True)
    dev = o1 - mu
    var = jnp.mean(dev * dev, axis=0, keepdims=True)
    th = dev * lax.rsqrt(var + 1e-5) * gf_ref[...] + btf_ref[...]
    o_ref[...] = jnp.dot(jnp.maximum(th, 0.0).astype(jnp.bfloat16),
                         wf2_ref[...].astype(jnp.bfloat16),
                         preferred_element_type=F32) + bf2_ref[...]


def _final(psum, pcnt, wf1, bf1, gf, btf, wf2, bf2):
    whole = lambda shape: pl.BlockSpec(shape, lambda: (0,) * len(shape))
    return pl.pallas_call(
        _final_body,
        in_specs=[whole((G, D)), whole((G, D)), whole((D, D)), whole((1, D)),
                  whole((1, D)), whole((1, D)), whole((D, D)), whole((1, D))],
        out_specs=whole((G, D)),
        out_shape=jax.ShapeDtypeStruct((G, D), F32),
    )(psum, pcnt, wf1, bf1, gf, btf, wf2, bf2)




def kernel(x, edge_index, edge_attr, batch,
           We1_0, be1_0, We2_0, be2_0, Wn1_0, bn1_0, g_0, bt_0, Wn2_0, bn2_0,
           We1_1, be1_1, We2_1, be2_1, Wn1_1, bn1_1, g_1, bt_1, Wn2_1, bn2_1,
           Wf1, bf1, gf, btf, Wf2, bf2):
    src = edge_index[0]
    dst = edge_index[1]
    zero = jnp.zeros((_NPAD, D), F32)
    p_onehot = (batch[:, None] == jnp.arange(G, dtype=jnp.int32)[None, :])
    p_onehot = p_onehot.astype(F32)
    row = lambda v: v.reshape(1, -1)

    h = x
    for (we1, be1, we2, be2, wn1, bn1_, g_, bt_, wn2, bn2_) in (
        (We1_0, be1_0, We2_0, be2_0, Wn1_0, bn1_0, g_0, bt_0, Wn2_0, bn2_0),
        (We1_1, be1_1, We2_1, be2_1, Wn1_1, bn1_1, g_1, bt_1, Wn2_1, bn2_1)):
        z = _gather_scale(h, src, edge_attr)
        m = _edge_mlp(z, we1, row(be1), we2, row(be2))
        a = _aggregate(m, dst, zero)[:N]
        t = _tmat(h, a, wn1, row(bn1_))
        mu = jnp.mean(t, axis=0, keepdims=True)
        var = jnp.var(t, axis=0, keepdims=True)
        h = _apply(t, mu, var, row(g_), row(bt_), wn2, row(bn2_))

    psum, pcnt = _pool(h, p_onehot)
    return _final(psum, pcnt, Wf1, row(bf1), row(gf), row(btf), Wf2, row(bf2))

# --- scband reference (transcript-rebuilt; emitter-appended) ---
"""Pipeline reference for scband-gin-weighted-22625887715637 (READ-ONLY COPY).

The authoritative reference and input builder live on the scoring server;
editing this copy changes nothing except your own understanding.
"""

import jax, jax.numpy as jnp
import numpy as np

N = 10000
E = 320000
D = 128
H = 128
O = 128
G = 64


def setup_inputs(seed: int = 0) -> dict:
    key = jax.random.key(seed)
    ks = jax.random.split(key, 34)

    def w(i, shape):
        return jax.random.normal(ks[i], shape, dtype=jnp.float32) * 0.05

    inp = {}
    inp["x"] = jax.random.normal(ks[0], (N, D), dtype=jnp.float32)
    inp["edge_index"] = jax.random.randint(ks[1], (2, E), 0, N, dtype=jnp.int32)
    inp["edge_attr"] = jax.random.uniform(ks[2], (E,), dtype=jnp.float32)
    inp["batch"] = jnp.sort(jax.random.randint(ks[3], (N,), 0, G, dtype=jnp.int32))
    i = 4
    for l in range(2):
        ind = D if l == 0 else H
        inp[f"We1_{l}"] = w(i, (ind, H)); i += 1
        inp[f"be1_{l}"] = jnp.zeros((H,), jnp.float32)
        inp[f"We2_{l}"] = w(i, (H, ind)); i += 1
        inp[f"be2_{l}"] = jnp.zeros((ind,), jnp.float32)
        inp[f"Wn1_{l}"] = w(i, (ind, H)); i += 1
        inp[f"bn1_{l}"] = jnp.zeros((H,), jnp.float32)
        inp[f"g_{l}"] = jnp.ones((H,), jnp.float32)
        inp[f"bt_{l}"] = jnp.zeros((H,), jnp.float32)
        inp[f"Wn2_{l}"] = w(i, (H, H)); i += 1
        inp[f"bn2_{l}"] = jnp.zeros((H,), jnp.float32)
    inp["Wf1"] = w(i, (H, H)); i += 1
    inp["bf1"] = jnp.zeros((H,), jnp.float32)
    inp["gf"] = jnp.ones((H,), jnp.float32)
    inp["btf"] = jnp.zeros((H,), jnp.float32)
    inp["Wf2"] = w(i, (H, O)); i += 1
    inp["bf2"] = jnp.zeros((O,), jnp.float32)
    return inp


def _bn(h, g, b):
    mu = jnp.mean(h, axis=0, keepdims=True)
    var = jnp.var(h, axis=0, keepdims=True)
    return (h - mu) / jnp.sqrt(var + 1e-5) * g + b


def _conv(x, src, dst, ea, We1, be1, We2, be2, Wn1, bn1, g, bt, Wn2, bn2):
    # GINEConv_Weighted: message m_ij = mlp_edge(x_j * w_ij), aggr='add'
    xj = jnp.take(x, src, axis=0)
    z = xj * ea[:, None]
    m = jax.nn.relu(z @ We1 + be1) @ We2 + be2
    aggr = jax.ops.segment_sum(m, dst, num_segments=x.shape[0])
    # nn_node: Linear -> BatchNorm -> ReLU -> Linear (PyG MLP, plain_last)
    h = x + aggr  # eps = 0, train_eps = False -> (1 + 0) * x + aggr
    h = h @ Wn1 + bn1
    h = _bn(h, g, bt)
    h = jax.nn.relu(h)
    h = h @ Wn2 + bn2
    return h


def reference(x, edge_index, edge_attr, batch,
              We1_0, be1_0, We2_0, be2_0, Wn1_0, bn1_0, g_0, bt_0, Wn2_0, bn2_0,
              We1_1, be1_1, We2_1, be2_1, Wn1_1, bn1_1, g_1, bt_1, Wn2_1, bn2_1,
              Wf1, bf1, gf, btf, Wf2, bf2):
    src = edge_index[0]
    dst = edge_index[1]
    h = _conv(x, src, dst, edge_attr, We1_0, be1_0, We2_0, be2_0, Wn1_0, bn1_0, g_0, bt_0, Wn2_0, bn2_0)
    h = jax.nn.relu(h)
    h = _conv(h, src, dst, edge_attr, We1_1, be1_1, We2_1, be2_1, Wn1_1, bn1_1, g_1, bt_1, Wn2_1, bn2_1)
    h = jax.nn.relu(h)
    # global_mean_pool
    sums = jax.ops.segment_sum(h, batch, num_segments=G)
    cnt = jax.ops.segment_sum(jnp.ones((h.shape[0],), jnp.float32), batch, num_segments=G)
    pooled = sums / jnp.maximum(cnt, 1.0)[:, None]
    # final_mlp: Linear -> BN -> ReLU -> Linear
    o = pooled @ Wf1 + bf1
    o = _bn(o, gf, btf)
    o = jax.nn.relu(o)
    o = o @ Wf2 + bf2
    return o

if __name__ == "__main__":
    import jax
    _d = setup_inputs()
    print(jax.jit(kernel)(*tuple(_d.values())))

</pallas_src>

<mosaic_0001>
#map = affine_map<(d0, d1) -> (0, 0)>
#map1 = affine_map<(d0, d1) -> (0)>
module attributes {stable_mosaic.version = 14 : i64} {
  func.func @_gather_scale_kernel(%arg0: i32, %arg1: i32, %arg2: memref<10000x128xf32, #tpu.memory_space<hbm>>, %arg3: memref<320000xi32, #tpu.memory_space<hbm>>, %arg4: memref<320000xf32, #tpu.memory_space<hbm>>, %arg5: memref<320000x128xf32, #tpu.memory_space<hbm>>, %arg6: memref<80xi32, #tpu.memory_space<vmem>>, %arg7: memref<80xf32, #tpu.memory_space<vmem>>, %arg8: memref<80x128xf32, #tpu.memory_space<vmem>>, %arg9: memref<!tpu.dma_semaphore, #tpu.memory_space<semaphore_mem>>) attributes {dimension_semantics = [#tpu.dimension_semantics<core_parallel>, #tpu.dimension_semantics<subcore_parallel>], iteration_bounds = array<i64: 2, 16>, scalar_prefetch = 0 : i64, scratch_operands = 4 : i64, tpu.core_type = #tpu.core_type<sc_vector_subcore>, window_params = [{transform_indices = #map}, {transform_indices = #map1}, {transform_indices = #map1}, {transform_indices = #map}]} {
    %mul3A = arith.constant 16 : i32
    %mul3A_0 = arith.muli %arg0, %mul3A : i32
    %add3A = arith.addi %mul3A_0, %arg1 : i32
    %scan3A = arith.constant 0 : i32
    %scan3A_1 = arith.constant 0 : i32
    %scan3A_2 = arith.constant 125 : i32
    %scan3A_3 = arith.addi %scan3A_1, %scan3A_2 : i32
    %scan3A_4 = arith.constant 1 : i32
    scf.for %scan3A_6 = %scan3A_1 to %scan3A_3 step %scan3A_4  : i32 {
      %mul3A_7 = arith.constant 10000 : i32
      %mul3A_8 = arith.muli %add3A, %mul3A_7 : i32
      %mul3A_9 = arith.constant 80 : i32
      %mul3A_10 = arith.muli %scan3A_6, %mul3A_9 : i32
      %add3A_11 = arith.addi %mul3A_8, %mul3A_10 : i32
      "tpu.region"() ({
        %run_scoped3A = tpu.sem_alloc : memref<!tpu.dma_semaphore, #tpu.memory_space<semaphore_mem>>
        %dma_start3A_22 = tpu.memref_slice %arg3[%add3A_11] : memref<320000xi32, #tpu.memory_space<hbm>> -> memref<80xi32, #tpu.memory_space<hbm>>
        %dma_start3A_23 = tpu.memref_slice %arg3[%add3A_11] : memref<320000xi32, #tpu.memory_space<hbm>> -> memref<80xi32, #tpu.memory_space<hbm>>
        tpu.enqueue_dma source(%dma_start3A_23 : memref<80xi32, #tpu.memory_space<hbm>>) target(%arg6 : memref<80xi32, #tpu.memory_space<vmem>>) target_semaphore(%run_scoped3A : memref<!tpu.dma_semaphore, #tpu.memory_space<semaphore_mem>>)
        %dma_wait3A_24 = tpu.memref_slice %arg3[%add3A_11] : memref<320000xi32, #tpu.memory_space<hbm>> -> memref<80xi32, #tpu.memory_space<hbm>>
        %dma_wait3A_25 = tpu.memref_slice %arg3[%add3A_11] : memref<320000xi32, #tpu.memory_space<hbm>> -> memref<80xi32, #tpu.memory_space<hbm>>
        tpu.wait_dma2 semaphore(%run_scoped3A : memref<!tpu.dma_semaphore, #tpu.memory_space<semaphore_mem>>) src(%dma_wait3A_25 : memref<80xi32, #tpu.memory_space<hbm>>) dst(%arg6 : memref<80xi32, #tpu.memory_space<vmem>>)
        tpu.yield
      }) : () -> ()
      "tpu.region"() ({
        %run_scoped3A = tpu.sem_alloc : memref<!tpu.dma_semaphore, #tpu.memory_space<semaphore_mem>>
        %dma_start3A_22 = tpu.memref_slice %arg4[%add3A_11] : memref<320000xf32, #tpu.memory_space<hbm>> -> memref<80xf32, #tpu.memory_space<hbm>>
        %dma_start3A_23 = tpu.memref_slice %arg4[%add3A_11] : memref<320000xf32, #tpu.memory_space<hbm>> -> memref<80xf32, #tpu.memory_space<hbm>>
        tpu.enqueue_dma source(%dma_start3A_23 : memref<80xf32, #tpu.memory_space<hbm>>) target(%arg7 : memref<80xf32, #tpu.memory_space<vmem>>) target_semaphore(%run_scoped3A : memref<!tpu.dma_semaphore, #tpu.memory_space<semaphore_mem>>)
        %dma_wait3A_24 = tpu.memref_slice %arg4[%add3A_11] : memref<320000xf32, #tpu.memory_space<hbm>> -> memref<80xf32, #tpu.memory_space<hbm>>
        %dma_wait3A_25 = tpu.memref_slice %arg4[%add3A_11] : memref<320000xf32, #tpu.memory_space<hbm>> -> memref<80xf32, #tpu.memory_space<hbm>>
        tpu.wait_dma2 semaphore(%run_scoped3A : memref<!tpu.dma_semaphore, #tpu.memory_space<semaphore_mem>>) src(%dma_wait3A_25 : memref<80xf32, #tpu.memory_space<hbm>>) dst(%arg7 : memref<80xf32, #tpu.memory_space<vmem>>)
        tpu.yield
      }) : () -> ()
      %dma_start3A = arith.constant 0 : i32
      %dma_start3A_12 = arith.constant 0 : i32
      %dma_start3A_13 = tpu.memref_slice %arg2[%dma_start3A, %dma_start3A_12] : memref<10000x128xf32, #tpu.memory_space<hbm>> -> memref<10000x128xf32, #tpu.memory_space<hbm>>
      tpu.enqueue_indirect_dma source(%dma_start3A_13 : memref<10000x128xf32, #tpu.memory_space<hbm>>) target(%arg8 : memref<80x128xf32, #tpu.memory_space<vmem>>) offsets(%arg6 : memref<80xi32, #tpu.memory_space<vmem>>) semaphore(%arg9 : memref<!tpu.dma_semaphore, #tpu.memory_space<semaphore_mem>>)
      %dma_wait3A = arith.constant 0 : i32
      %dma_wait3A_14 = arith.constant 0 : i32
      %dma_wait3A_15 = tpu.memref_slice %arg2[%dma_wait3A, %dma_wait3A_14] : memref<10000x128xf32, #tpu.memory_space<hbm>> -> memref<10000x128xf32, #tpu.memory_space<hbm>>
      tpu.wait_indirect_dma semaphore(%arg9 : memref<!tpu.dma_semaphore, #tpu.memory_space<semaphore_mem>>) src(%dma_wait3A_15 : memref<10000x128xf32, #tpu.memory_space<hbm>>) dst(%arg8 : memref<80x128xf32, #tpu.memory_space<vmem>>)
      %scan3A_16 = arith.constant 0 : i32
      %scan3A_17 = arith.constant 0 : i32
      %scan3A_18 = arith.constant 80 : i32
      %scan3A_19 = arith.addi %scan3A_17, %scan3A_18 : i32
      %scan3A_20 = arith.constant 4 : i32
      scf.for %scan3A_22 = %scan3A_17 to %scan3A_19 step %scan3A_20  : i32 {
        %broadcast_in_dim3A = vector.broadcast %scan3A_22 : i32 to vector<16xi32>
        %gather3A = tpu.vector_load_idx %arg7[%broadcast_in_dim3A] : memref<80xf32, #tpu.memory_space<vmem>>[vector<16xi32>], vector<16xf32>,
        %iota3A = tpu.iota {dimensions = array<i32: 0>} : vector<16xi32>
        %add3A_23 = arith.constant 0 : i32
        %add3A_24 = vector.broadcast %add3A_23 : i32 to vector<16xi32>
        %add3A_25 = arith.addi %add3A_24, %iota3A : vector<16xi32>
        %gather3A_26 = tpu.vector_load_idx %arg8[%broadcast_in_dim3A, %add3A_25] : memref<80x128xf32, #tpu.memory_space<vmem>>[vector<16xi32>, vector<16xi32>], vector<16xf32>,
        %mul3A_27 = arith.mulf %gather3A_26, %gather3A : vector<16xf32>
        tpu.vector_store_idx %arg8[%broadcast_in_dim3A, %add3A_25], %mul3A_27 : memref<80x128xf32, #tpu.memory_space<vmem>>[vector<16xi32>, vector<16xi32>], vector<16xf32>,
        %iota3A_28 = tpu.iota {dimensions = array<i32: 0>} : vector<16xi32>
        %add3A_29 = arith.constant 16 : i32
        %add3A_30 = vector.broadcast %add3A_29 : i32 to vector<16xi32>
        %add3A_31 = arith.addi %add3A_30, %iota3A_28 : vector<16xi32>
        %gather3A_32 = tpu.vector_load_idx %arg8[%broadcast_in_dim3A, %add3A_31] : memref<80x128xf32, #tpu.memory_space<vmem>>[vector<16xi32>, vector<16xi32>], vector<16xf32>,
        %mul3A_33 = arith.mulf %gather3A_32, %gather3A : vector<16xf32>
        tpu.vector_store_idx %arg8[%broadcast_in_dim3A, %add3A_31], %mul3A_33 : memref<80x128xf32, #tpu.memory_space<vmem>>[vector<16xi32>, vector<16xi32>], vector<16xf32>,
        %iota3A_34 = tpu.iota {dimensions = array<i32: 0>} : vector<16xi32>
        %add3A_35 = arith.constant 32 : i32
        %add3A_36 = vector.broadcast %add3A_35 : i32 to vector<16xi32>
        %add3A_37 = arith.addi %add3A_36, %iota3A_34 : vector<16xi32>
        %gather3A_38 = tpu.vector_load_idx %arg8[%broadcast_in_dim3A, %add3A_37] : memref<80x128xf32, #tpu.memory_space<vmem>>[vector<16xi32>, vector<16xi32>], vector<16xf32>,
        %mul3A_39 = arith.mulf %gather3A_38, %gather3A : vector<16xf32>
        tpu.vector_store_idx %arg8[%broadcast_in_dim3A, %add3A_37], %mul3A_39 : memref<80x128xf32, #tpu.memory_space<vmem>>[vector<16xi32>, vector<16xi32>], vector<16xf32>,
        %iota3A_40 = tpu.iota {dimensions = array<i32: 0>} : vector<16xi32>
        %add3A_41 = arith.constant 48 : i32
        %add3A_42 = vector.broadcast %add3A_41 : i32 to vector<16xi32>
        %add3A_43 = arith.addi %add3A_42, %iota3A_40 : vector<16xi32>
        %gather3A_44 = tpu.vector_load_idx %arg8[%broadcast_in_dim3A, %add3A_43] : memref<80x128xf32, #tpu.memory_space<vmem>>[vector<16xi32>, vector<16xi32>], vector<16xf32>,
        %mul3A_45 = arith.mulf %gather3A_44, %gather3A : vector<16xf32>
        tpu.vector_store_idx %arg8[%broadcast_in_dim3A, %add3A_43], %mul3A_45 : memref<80x128xf32, #tpu.memory_space<vmem>>[vector<16xi32>, vector<16xi32>], vector<16xf32>,
        %iota3A_46 = tpu.iota {dimensions = array<i32: 0>} : vector<16xi32>
        %add3A_47 = arith.constant 64 : i32
        %add3A_48 = vector.broadcast %add3A_47 : i32 to vector<16xi32>
        %add3A_49 = arith.addi %add3A_48, %iota3A_46 : vector<16xi32>
        %gather3A_50 = tpu.vector_load_idx %arg8[%broadcast_in_dim3A, %add3A_49] : memref<80x128xf32, #tpu.memory_space<vmem>>[vector<16xi32>, vector<16xi32>], vector<16xf32>,
        %mul3A_51 = arith.mulf %gather3A_50, %gather3A : vector<16xf32>
        tpu.vector_store_idx %arg8[%broadcast_in_dim3A, %add3A_49], %mul3A_51 : memref<80x128xf32, #tpu.memory_space<vmem>>[vector<16xi32>, vector<16xi32>], vector<16xf32>,
        %iota3A_52 = tpu.iota {dimensions = array<i32: 0>} : vector<16xi32>
        %add3A_53 = arith.constant 80 : i32
        %add3A_54 = vector.broadcast %add3A_53 : i32 to vector<16xi32>
        %add3A_55 = arith.addi %add3A_54, %iota3A_52 : vector<16xi32>
        %gather3A_56 = tpu.vector_load_idx %arg8[%broadcast_in_dim3A, %add3A_55] : memref<80x128xf32, #tpu.memory_space<vmem>>[vector<16xi32>, vector<16xi32>], vector<16xf32>,
        %mul3A_57 = arith.mulf %gather3A_56, %gather3A : vector<16xf32>
        tpu.vector_store_idx %arg8[%broadcast_in_dim3A, %add3A_55], %mul3A_57 : memref<80x128xf32, #tpu.memory_space<vmem>>[vector<16xi32>, vector<16xi32>], vector<16xf32>,
        %iota3A_58 = tpu.iota {dimensions = array<i32: 0>} : vector<16xi32>
        %add3A_59 = arith.constant 96 : i32
        %add3A_60 = vector.broadcast %add3A_59 : i32 to vector<16xi32>
        %add3A_61 = arith.addi %add3A_60, %iota3A_58 : vector<16xi32>
        %gather3A_62 = tpu.vector_load_idx %arg8[%broadcast_in_dim3A, %add3A_61] : memref<80x128xf32, #tpu.memory_space<vmem>>[vector<16xi32>, vector<16xi32>], vector<16xf32>,
        %mul3A_63 = arith.mulf %gather3A_62, %gather3A : vector<16xf32>
        tpu.vector_store_idx %arg8[%broadcast_in_dim3A, %add3A_61], %mul3A_63 : memref<80x128xf32, #tpu.memory_space<vmem>>[vector<16xi32>, vector<16xi32>], vector<16xf32>,
        %iota3A_64 = tpu.iota {dimensions = array<i32: 0>} : vector<16xi32>
        %add3A_65 = arith.constant 112 : i32
        %add3A_66 = vector.broadcast %add3A_65 : i32 to vector<16xi32>
        %add3A_67 = arith.addi %add3A_66, %iota3A_64 : vector<16xi32>
        %gather3A_68 = tpu.vector_load_idx %arg8[%broadcast_in_dim3A, %add3A_67] : memref<80x128xf32, #tpu.memory_space<vmem>>[vector<16xi32>, vector<16xi32>], vector<16xf32>,
        %mul3A_69 = arith.mulf %gather3A_68, %gather3A : vector<16xf32>
        tpu.vector_store_idx %arg8[%broadcast_in_dim3A, %add3A_67], %mul3A_69 : memref<80x128xf32, #tpu.memory_space<vmem>>[vector<16xi32>, vector<16xi32>], vector<16xf32>,
        %scan3A_70 = arith.constant 1 : i32
        %scan3A_71 = arith.addi %scan3A_22, %scan3A_70 : i32
        %broadcast_in_dim3A_72 = vector.broadcast %scan3A_71 : i32 to vector<16xi32>
        %gather3A_73 = tpu.vector_load_idx %arg7[%broadcast_in_dim3A_72] : memref<80xf32, #tpu.memory_space<vmem>>[vector<16xi32>], vector<16xf32>,
        %iota3A_74 = tpu.iota {dimensions = array<i32: 0>} : vector<16xi32>
        %add3A_75 = arith.constant 0 : i32
        %add3A_76 = vector.broadcast %add3A_75 : i32 to vector<16xi32>
        %add3A_77 = arith.addi %add3A_76, %iota3A_74 : vector<16xi32>
        %gather3A_78 = tpu.vector_load_idx %arg8[%broadcast_in_dim3A_72, %add3A_77] : memref<80x128xf32, #tpu.memory_space<vmem>>[vector<16xi32>, vector<16xi32>], vector<16xf32>,
        %mul3A_79 = arith.mulf %gather3A_78, %gather3A_73 : vector<16xf32>
        tpu.vector_store_idx %arg8[%broadcast_in_dim3A_72, %add3A_77], %mul3A_79 : memref<80x128xf32, #tpu.memory_space<vmem>>[vector<16xi32>, vector<16xi32>], vector<16xf32>,
        %iota3A_80 = tpu.iota {dimensions = array<i32: 0>} : vector<16xi32>
        %add3A_81 = arith.constant 16 : i32
        %add3A_82 = vector.broadcast %add3A_81 : i32 to vector<16xi32>
        %add3A_83 = arith.addi %add3A_82, %iota3A_80 : vector<16xi32>
        %gather3A_84 = tpu.vector_load_idx %arg8[%broadcast_in_dim3A_72, %add3A_83] : memref<80x128xf32, #tpu.memory_space<vmem>>[vector<16xi32>, vector<16xi32>], vector<16xf32>,
        %mul3A_85 = arith.mulf %gather3A_84, %gather3A_73 : vector<16xf32>
        tpu.vector_store_idx %arg8[%broadcast_in_dim3A_72, %add3A_83], %mul3A_85 : memref<80x128xf32, #tpu.memory_space<vmem>>[vector<16xi32>, vector<16xi32>], vector<16xf32>,
        %iota3A_86 = tpu.iota {dimensions = array<i32: 0>} : vector<16xi32>
        %add3A_87 = arith.constant 32 : i32
        %add3A_88 = vector.broadcast %add3A_87 : i32 to vector<16xi32>
        %add3A_89 = arith.addi %add3A_88, %iota3A_86 : vector<16xi32>
        %gather3A_90 = tpu.vector_load_idx %arg8[%broadcast_in_dim3A_72, %add3A_89] : memref<80x128xf32, #tpu.memory_space<vmem>>[vector<16xi32>, vector<16xi32>], vector<16xf32>,
        %mul3A_91 = arith.mulf %gather3A_90, %gather3A_73 : vector<16xf32>
        tpu.vector_store_idx %arg8[%broadcast_in_dim3A_72, %add3A_89], %mul3A_91 : memref<80x128xf32, #tpu.memory_space<vmem>>[vector<16xi32>, vector<16xi32>], vector<16xf32>,
        %iota3A_92 = tpu.iota {dimensions = array<i32: 0>} : vector<16xi32>
        %add3A_93 = arith.constant 48 : i32
        %add3A_94 = vector.broadcast %add3A_93 : i32 to vector<16xi32>
        %add3A_95 = arith.addi %add3A_94, %iota3A_92 : vector<16xi32>
        %gather3A_96 = tpu.vector_load_idx %arg8[%broadcast_in_dim3A_72, %add3A_95] : memref<80x128xf32, #tpu.memory_space<vmem>>[vector<16xi32>, vector<16xi32>], vector<16xf32>,
        %mul3A_97 = arith.mulf %gather3A_96, %gather3A_73 : vector<16xf32>
        tpu.vector_store_idx %arg8[%broadcast_in_dim3A_72, %add3A_95], %mul3A_97 : memref<80x128xf32, #tpu.memory_space<vmem>>[vector<16xi32>, vector<16xi32>], vector<16xf32>,
        %iota3A_98 = tpu.iota {dimensions = array<i32: 0>} : vector<16xi32>
        %add3A_99 = arith.constant 64 : i32
        %add3A_100 = vector.broadcast %add3A_99 : i32 to vector<16xi32>
        %add3A_101 = arith.addi %add3A_100, %iota3A_98 : vector<16xi32>
        %gather3A_102 = tpu.vector_load_idx %arg8[%broadcast_in_dim3A_72, %add3A_101] : memref<80x128xf32, #tpu.memory_space<vmem>>[vector<16xi32>, vector<16xi32>], vector<16xf32>,
        %mul3A_103 = arith.mulf %gather3A_102, %gather3A_73 : vector<16xf32>
        tpu.vector_store_idx %arg8[%broadcast_in_dim3A_72, %add3A_101], %mul3A_103 : memref<80x128xf32, #tpu.memory_space<vmem>>[vector<16xi32>, vector<16xi32>], vector<16xf32>,
        %iota3A_104 = tpu.iota {dimensions = array<i32: 0>} : vector<16xi32>
        %add3A_105 = arith.constant 80 : i32
        %add3A_106 = vector.broadcast %add3A_105 : i32 to vector<16xi32>
        %add3A_107 = arith.addi %add3A_106, %iota3A_104 : vector<16xi32>
        %gather3A_108 = tpu.vector_load_idx %arg8[%broadcast_in_dim3A_72, %add3A_107] : memref<80x128xf32, #tpu.memory_space<vmem>>[vector<16xi32>, vector<16xi32>], vector<16xf32>,
        %mul3A_109 = arith.mulf %gather3A_108, %gather3A_73 : vector<16xf32>
        tpu.vector_store_idx %arg8[%broadcast_in_dim3A_72, %add3A_107], %mul3A_109 : memref<80x128xf32, #tpu.memory_space<vmem>>[vector<16xi32>, vector<16xi32>], vector<16xf32>,
        %iota3A_110 = tpu.iota {dimensions = array<i32: 0>} : vector<16xi32>
        %add3A_111 = arith.constant 96 : i32
        %add3A_112 = vector.broadcast %add3A_111 : i32 to vector<16xi32>
        %add3A_113 = arith.addi %add3A_112, %iota3A_110 : vector<16xi32>
        %gather3A_114 = tpu.vector_load_idx %arg8[%broadcast_in_dim3A_72, %add3A_113] : memref<80x128xf32, #tpu.memory_space<vmem>>[vector<16xi32>, vector<16xi32>], vector<16xf32>,
        %mul3A_115 = arith.mulf %gather3A_114, %gather3A_73 : vector<16xf32>
        tpu.vector_store_idx %arg8[%broadcast_in_dim3A_72, %add3A_113], %mul3A_115 : memref<80x128xf32, #tpu.memory_space<vmem>>[vector<16xi32>, vector<16xi32>], vector<16xf32>,
        %iota3A_116 = tpu.iota {dimensions = array<i32: 0>} : vector<16xi32>
        %add3A_117 = arith.constant 112 : i32
        %add3A_118 = vector.broadcast %add3A_117 : i32 to vector<16xi32>
        %add3A_119 = arith.addi %add3A_118, %iota3A_116 : vector<16xi32>
        %gather3A_120 = tpu.vector_load_idx %arg8[%broadcast_in_dim3A_72, %add3A_119] : memref<80x128xf32, #tpu.memory_space<vmem>>[vector<16xi32>, vector<16xi32>], vector<16xf32>,
        %mul3A_121 = arith.mulf %gather3A_120, %gather3A_73 : vector<16xf32>
        tpu.vector_store_idx %arg8[%broadcast_in_dim3A_72, %add3A_119], %mul3A_121 : memref<80x128xf32, #tpu.memory_space<vmem>>[vector<16xi32>, vector<16xi32>], vector<16xf32>,
        %scan3A_122 = arith.constant 2 : i32
        %scan3A_123 = arith.addi %scan3A_22, %scan3A_122 : i32
        %broadcast_in_dim3A_124 = vector.broadcast %scan3A_123 : i32 to vector<16xi32>
        %gather3A_125 = tpu.vector_load_idx %arg7[%broadcast_in_dim3A_124] : memref<80xf32, #tpu.memory_space<vmem>>[vector<16xi32>], vector<16xf32>,
        %iota3A_126 = tpu.iota {dimensions = array<i32: 0>} : vector<16xi32>
        %add3A_127 = arith.constant 0 : i32
        %add3A_128 = vector.broadcast %add3A_127 : i32 to vector<16xi32>
        %add3A_129 = arith.addi %add3A_128, %iota3A_126 : vector<16xi32>
        %gather3A_130 = tpu.vector_load_idx %arg8[%broadcast_in_dim3A_124, %add3A_129] : memref<80x128xf32, #tpu.memory_space<vmem>>[vector<16xi32>, vector<16xi32>], vector<16xf32>,
        %mul3A_131 = arith.mulf %gather3A_130, %gather3A_125 : vector<16xf32>
        tpu.vector_store_idx %arg8[%broadcast_in_dim3A_124, %add3A_129], %mul3A_131 : memref<80x128xf32, #tpu.memory_space<vmem>>[vector<16xi32>, vector<16xi32>], vector<16xf32>,
        %iota3A_132 = tpu.iota {dimensions = array<i32: 0>} : vector<16xi32>
        %add3A_133 = arith.constant 16 : i32
        %add3A_134 = vector.broadcast %add3A_133 : i32 to vector<16xi32>
        %add3A_135 = arith.addi %add3A_134, %iota3A_132 : vector<16xi32>
        %gather3A_136 = tpu.vector_load_idx %arg8[%broadcast_in_dim3A_124, %add3A_135] : memref<80x128xf32, #tpu.memory_space<vmem>>[vector<16xi32>, vector<16xi32>], vector<16xf32>,
        %mul3A_137 = arith.mulf %gather3A_136, %gather3A_125 : vector<16xf32>
        tpu.vector_store_idx %arg8[%broadcast_in_dim3A_124, %add3A_135], %mul3A_137 : memref<80x128xf32, #tpu.memory_space<vmem>>[vector<16xi32>, vector<16xi32>], vector<16xf32>,
        %iota3A_138 = tpu.iota {dimensions = array<i32: 0>} : vector<16xi32>
        %add3A_139 = arith.constant 32 : i32
        %add3A_140 = vector.broadcast %add3A_139 : i32 to vector<16xi32>
        %add3A_141 = arith.addi %add3A_140, %iota3A_138 : vector<16xi32>
        %gather3A_142 = tpu.vector_load_idx %arg8[%broadcast_in_dim3A_124, %add3A_141] : memref<80x128xf32, #tpu.memory_space<vmem>>[vector<16xi32>, vector<16xi32>], vector<16xf32>,
        %mul3A_143 = arith.mulf %gather3A_142, %gather3A_125 : vector<16xf32>
        tpu.vector_store_idx %arg8[%broadcast_in_dim3A_124, %add3A_141], %mul3A_143 : memref<80x128xf32, #tpu.memory_space<vmem>>[vector<16xi32>, vector<16xi32>], vector<16xf32>,
        %iota3A_144 = tpu.iota {dimensions = array<i32: 0>} : vector<16xi32>
        %add3A_145 = arith.constant 48 : i32
        %add3A_146 = vector.broadcast %add3A_145 : i32 to vector<16xi32>
        %add3A_147 = arith.addi %add3A_146, %iota3A_144 : vector<16xi32>
        %gather3A_148 = tpu.vector_load_idx %arg8[%broadcast_in_dim3A_124, %add3A_147] : memref<80x128xf32, #tpu.memory_space<vmem>>[vector<16xi32>, vector<16xi32>], vector<16xf32>,
        %mul3A_149 = arith.mulf %gather3A_148, %gather3A_125 : vector<16xf32>
        tpu.vector_store_idx %arg8[%broadcast_in_dim3A_124, %add3A_147], %mul3A_149 : memref<80x128xf32, #tpu.memory_space<vmem>>[vector<16xi32>, vector<16xi32>], vector<16xf32>,
        %iota3A_150 = tpu.iota {dimensions = array<i32: 0>} : vector<16xi32>
        %add3A_151 = arith.constant 64 : i32
        %add3A_152 = vector.broadcast %add3A_151 : i32 to vector<16xi32>
        %add3A_153 = arith.addi %add3A_152, %iota3A_150 : vector<16xi32>
        %gather3A_154 = tpu.vector_load_idx %arg8[%broadcast_in_dim3A_124, %add3A_153] : memref<80x128xf32, #tpu.memory_space<vmem>>[vector<16xi32>, vector<16xi32>], vector<16xf32>,
        %mul3A_155 = arith.mulf %gather3A_154, %gather3A_125 : vector<16xf32>
        tpu.vector_store_idx %arg8[%broadcast_in_dim3A_124, %add3A_153], %mul3A_155 : memref<80x128xf32, #tpu.memory_space<vmem>>[vector<16xi32>, vector<16xi32>], vector<16xf32>,
        %iota3A_156 = tpu.iota {dimensions = array<i32: 0>} : vector<16xi32>
        %add3A_157 = arith.constant 80 : i32
        %add3A_158 = vector.broadcast %add3A_157 : i32 to vector<16xi32>
        %add3A_159 = arith.addi %add3A_158, %iota3A_156 : vector<16xi32>
        %gather3A_160 = tpu.vector_load_idx %arg8[%broadcast_in_dim3A_124, %add3A_159] : memref<80x128xf32, #tpu.memory_space<vmem>>[vector<16xi32>, vector<16xi32>], vector<16xf32>,
        %mul3A_161 = arith.mulf %gather3A_160, %gather3A_125 : vector<16xf32>
        tpu.vector_store_idx %arg8[%broadcast_in_dim3A_124, %add3A_159], %mul3A_161 : memref<80x128xf32, #tpu.memory_space<vmem>>[vector<16xi32>, vector<16xi32>], vector<16xf32>,
        %iota3A_162 = tpu.iota {dimensions = array<i32: 0>} : vector<16xi32>
        %add3A_163 = arith.constant 96 : i32
        %add3A_164 = vector.broadcast %add3A_163 : i32 to vector<16xi32>
        %add3A_165 = arith.addi %add3A_164, %iota3A_162 : vector<16xi32>
        %gather3A_166 = tpu.vector_load_idx %arg8[%broadcast_in_dim3A_124, %add3A_165] : memref<80x128xf32, #tpu.memory_space<vmem>>[vector<16xi32>, vector<16xi32>], vector<16xf32>,
        %mul3A_167 = arith.mulf %gather3A_166, %gather3A_125 : vector<16xf32>
        tpu.vector_store_idx %arg8[%broadcast_in_dim3A_124, %add3A_165], %mul3A_167 : memref<80x128xf32, #tpu.memory_space<vmem>>[vector<16xi32>, vector<16xi32>], vector<16xf32>,
        %iota3A_168 = tpu.iota {dimensions = array<i32: 0>} : vector<16xi32>
        %add3A_169 = arith.constant 112 : i32
        %add3A_170 = vector.broadcast %add3A_169 : i32 to vector<16xi32>
        %add3A_171 = arith.addi %add3A_170, %iota3A_168 : vector<16xi32>
        %gather3A_172 = tpu.vector_load_idx %arg8[%broadcast_in_dim3A_124, %add3A_171] : memref<80x128xf32, #tpu.memory_space<vmem>>[vector<16xi32>, vector<16xi32>], vector<16xf32>,
        %mul3A_173 = arith.mulf %gather3A_172, %gather3A_125 : vector<16xf32>
        tpu.vector_store_idx %arg8[%broadcast_in_dim3A_124, %add3A_171], %mul3A_173 : memref<80x128xf32, #tpu.memory_space<vmem>>[vector<16xi32>, vector<16xi32>], vector<16xf32>,
        %scan3A_174 = arith.constant 3 : i32
        %scan3A_175 = arith.addi %scan3A_22, %scan3A_174 : i32
        %broadcast_in_dim3A_176 = vector.broadcast %scan3A_175 : i32 to vector<16xi32>
        %gather3A_177 = tpu.vector_load_idx %arg7[%broadcast_in_dim3A_176] : memref<80xf32, #tpu.memory_space<vmem>>[vector<16xi32>], vector<16xf32>,
        %iota3A_178 = tpu.iota {dimensions = array<i32: 0>} : vector<16xi32>
        %add3A_179 = arith.constant 0 : i32
        %add3A_180 = vector.broadcast %add3A_179 : i32 to vector<16xi32>
        %add3A_181 = arith.addi %add3A_180, %iota3A_178 : vector<16xi32>
        %gather3A_182 = tpu.vector_load_idx %arg8[%broadcast_in_dim3A_176, %add3A_181] : memref<80x128xf32, #tpu.memory_space<vmem>>[vector<16xi32>, vector<16xi32>], vector<16xf32>,
        %mul3A_183 = arith.mulf %gather3A_182, %gather3A_177 : vector<16xf32>
        tpu.vector_store_idx %arg8[%broadcast_in_dim3A_176, %add3A_181], %mul3A_183 : memref<80x128xf32, #tpu.memory_space<vmem>>[vector<16xi32>, vector<16xi32>], vector<16xf32>,
        %iota3A_184 = tpu.iota {dimensions = array<i32: 0>} : vector<16xi32>
        %add3A_185 = arith.constant 16 : i32
        %add3A_186 = vector.broadcast %add3A_185 : i32 to vector<16xi32>
        %add3A_187 = arith.addi %add3A_186, %iota3A_184 : vector<16xi32>
        %gather3A_188 = tpu.vector_load_idx %arg8[%broadcast_in_dim3A_176, %add3A_187] : memref<80x128xf32, #tpu.memory_space<vmem>>[vector<16xi32>, vector<16xi32>], vector<16xf32>,
        %mul3A_189 = arith.mulf %gather3A_188, %gather3A_177 : vector<16xf32>
        tpu.vector_store_idx %arg8[%broadcast_in_dim3A_176, %add3A_187], %mul3A_189 : memref<80x128xf32, #tpu.memory_space<vmem>>[vector<16xi32>, vector<16xi32>], vector<16xf32>,
        %iota3A_190 = tpu.iota {dimensions = array<i32: 0>} : vector<16xi32>
        %add3A_191 = arith.constant 32 : i32
        %add3A_192 = vector.broadcast %add3A_191 : i32 to vector<16xi32>
        %add3A_193 = arith.addi %add3A_192, %iota3A_190 : vector<16xi32>
        %gather3A_194 = tpu.vector_load_idx %arg8[%broadcast_in_dim3A_176, %add3A_193] : memref<80x128xf32, #tpu.memory_space<vmem>>[vector<16xi32>, vector<16xi32>], vector<16xf32>,
        %mul3A_195 = arith.mulf %gather3A_194, %gather3A_177 : vector<16xf32>
        tpu.vector_store_idx %arg8[%broadcast_in_dim3A_176, %add3A_193], %mul3A_195 : memref<80x128xf32, #tpu.memory_space<vmem>>[vector<16xi32>, vector<16xi32>], vector<16xf32>,
        %iota3A_196 = tpu.iota {dimensions = array<i32: 0>} : vector<16xi32>
        %add3A_197 = arith.constant 48 : i32
        %add3A_198 = vector.broadcast %add3A_197 : i32 to vector<16xi32>
        %add3A_199 = arith.addi %add3A_198, %iota3A_196 : vector<16xi32>
        %gather3A_200 = tpu.vector_load_idx %arg8[%broadcast_in_dim3A_176, %add3A_199] : memref<80x128xf32, #tpu.memory_space<vmem>>[vector<16xi32>, vector<16xi32>], vector<16xf32>,
        %mul3A_201 = arith.mulf %gather3A_200, %gather3A_177 : vector<16xf32>
        tpu.vector_store_idx %arg8[%broadcast_in_dim3A_176, %add3A_199], %mul3A_201 : memref<80x128xf32, #tpu.memory_space<vmem>>[vector<16xi32>, vector<16xi32>], vector<16xf32>,
        %iota3A_202 = tpu.iota {dimensions = array<i32: 0>} : vector<16xi32>
        %add3A_203 = arith.constant 64 : i32
        %add3A_204 = vector.broadcast %add3A_203 : i32 to vector<16xi32>
        %add3A_205 = arith.addi %add3A_204, %iota3A_202 : vector<16xi32>
        %gather3A_206 = tpu.vector_load_idx %arg8[%broadcast_in_dim3A_176, %add3A_205] : memref<80x128xf32, #tpu.memory_space<vmem>>[vector<16xi32>, vector<16xi32>], vector<16xf32>,
        %mul3A_207 = arith.mulf %gather3A_206, %gather3A_177 : vector<16xf32>
        tpu.vector_store_idx %arg8[%broadcast_in_dim3A_176, %add3A_205], %mul3A_207 : memref<80x128xf32, #tpu.memory_space<vmem>>[vector<16xi32>, vector<16xi32>], vector<16xf32>,
        %iota3A_208 = tpu.iota {dimensions = array<i32: 0>} : vector<16xi32>
        %add3A_209 = arith.constant 80 : i32
        %add3A_210 = vector.broadcast %add3A_209 : i32 to vector<16xi32>
        %add3A_211 = arith.addi %add3A_210, %iota3A_208 : vector<16xi32>
        %gather3A_212 = tpu.vector_load_idx %arg8[%broadcast_in_dim3A_176, %add3A_211] : memref<80x128xf32, #tpu.memory_space<vmem>>[vector<16xi32>, vector<16xi32>], vector<16xf32>,
        %mul3A_213 = arith.mulf %gather3A_212, %gather3A_177 : vector<16xf32>
        tpu.vector_store_idx %arg8[%broadcast_in_dim3A_176, %add3A_211], %mul3A_213 : memref<80x128xf32, #tpu.memory_space<vmem>>[vector<16xi32>, vector<16xi32>], vector<16xf32>,
        %iota3A_214 = tpu.iota {dimensions = array<i32: 0>} : vector<16xi32>
        %add3A_215 = arith.constant 96 : i32
        %add3A_216 = vector.broadcast %add3A_215 : i32 to vector<16xi32>
        %add3A_217 = arith.addi %add3A_216, %iota3A_214 : vector<16xi32>
        %gather3A_218 = tpu.vector_load_idx %arg8[%broadcast_in_dim3A_176, %add3A_217] : memref<80x128xf32, #tpu.memory_space<vmem>>[vector<16xi32>, vector<16xi32>], vector<16xf32>,
        %mul3A_219 = arith.mulf %gather3A_218, %gather3A_177 : vector<16xf32>
        tpu.vector_store_idx %arg8[%broadcast_in_dim3A_176, %add3A_217], %mul3A_219 : memref<80x128xf32, #tpu.memory_space<vmem>>[vector<16xi32>, vector<16xi32>], vector<16xf32>,
        %iota3A_220 = tpu.iota {dimensions = array<i32: 0>} : vector<16xi32>
        %add3A_221 = arith.constant 112 : i32
        %add3A_222 = vector.broadcast %add3A_221 : i32 to vector<16xi32>
        %add3A_223 = arith.addi %add3A_222, %iota3A_220 : vector<16xi32>
        %gather3A_224 = tpu.vector_load_idx %arg8[%broadcast_in_dim3A_176, %add3A_223] : memref<80x128xf32, #tpu.memory_space<vmem>>[vector<16xi32>, vector<16xi32>], vector<16xf32>,
        %mul3A_225 = arith.mulf %gather3A_224, %gather3A_177 : vector<16xf32>
        tpu.vector_store_idx %arg8[%broadcast_in_dim3A_176, %add3A_223], %mul3A_225 : memref<80x128xf32, #tpu.memory_space<vmem>>[vector<16xi32>, vector<16xi32>], vector<16xf32>,
      }
      %scan3A_21 = arith.constant 80 : i32
      "tpu.region"() ({
        %run_scoped3A = tpu.sem_alloc : memref<!tpu.dma_semaphore, #tpu.memory_space<semaphore_mem>>
        %dma_start3A_22 = arith.constant 0 : i32
        %dma_start3A_23 = tpu.memref_slice %arg5[%add3A_11, %dma_start3A_22] : memref<320000x128xf32, #tpu.memory_space<hbm>> -> memref<80x128xf32, #tpu.memory_space<hbm>>
        %dma_start3A_24 = arith.constant 0 : i32
        %dma_start3A_25 = tpu.memref_slice %arg5[%add3A_11, %dma_start3A_24] : memref<320000x128xf32, #tpu.memory_space<hbm>> -> memref<80x128xf32, #tpu.memory_space<hbm>>
        tpu.enqueue_dma source(%arg8 : memref<80x128xf32, #tpu.memory_space<vmem>>) target(%dma_start3A_25 : memref<80x128xf32, #tpu.memory_space<hbm>>) target_semaphore(%run_scoped3A : memref<!tpu.dma_semaphore, #tpu.memory_space<semaphore_mem>>)
        %dma_wait3A_26 = arith.constant 0 : i32
        %dma_wait3A_27 = tpu.memref_slice %arg5[%add3A_11, %dma_wait3A_26] : memref<320000x128xf32, #tpu.memory_space<hbm>> -> memref<80x128xf32, #tpu.memory_space<hbm>>
        %dma_wait3A_28 = arith.constant 0 : i32
        %dma_wait3A_29 = tpu.memref_slice %arg5[%add3A_11, %dma_wait3A_28] : memref<320000x128xf32, #tpu.memory_space<hbm>> -> memref<80x128xf32, #tpu.memory_space<hbm>>
        tpu.wait_dma2 semaphore(%run_scoped3A : memref<!tpu.dma_semaphore, #tpu.memory_space<semaphore_mem>>) src(%arg8 : memref<80x128xf32, #tpu.memory_space<vmem>>) dst(%dma_wait3A_29 : memref<80x128xf32, #tpu.memory_space<hbm>>)
        tpu.yield
      }) : () -> ()
    }
    %scan3A_5 = arith.constant 125 : i32
    return
  }
}

</mosaic_0001>

<sc_bundles>
// kernel: _gather_scale.3.cloned.1.call-start
scs
__scs_entry_jumppad:
0x0: {  	(pc) =	sbr.rel $0x88, $3  }
0x1: {  	(tag) =	ssettag $0x0;
	lr =	simm.s32 $0x1  }
0x2: {  	[smem:$0x3F9E] =	sst lr;
	_ =	strace $0xD0000000  }
0x3: {  	_ = 	snop  }
0x4: {  	_ = 	snop  }
0x5: {  	_ = 	snop  }
0x6: {  	_ = 	snop  }
0x7: {  	_ = 	snop  }
__scs_overlays_trampoline_lowered:
0x8: {  	[smem:$0x3FAD] =	sst s0  }
0x9: {  	[smem:$0x3FAE] =	sst s1  }
0xa: {  	[smem:$0x3FAF] =	sst s2  }
0xb: {  	[smem:$0x3FB0] =	sst s3  }
0xc: {  	[smem:$0x3FB1] =	sst s4  }
0xd: {  	[smem:$0x3FB2] =	sst s5  }
0xe: {  	[smem:$0x3FB3] =	sst s6  }
0xf: {  	[smem:$0x3FB4] =	sst s7  }
0x10: {  	[smem:$0x3FB5] =	sst s8  }
0x11: {  	[smem:$0x3FB6] =	sst s9;
	s0 =	simm.s32 @!p0 $0x0  }
0x12: {  	s1 =	sld [smem:$0x3F9C];
	s0 =	simm.s32 @p0 $0x1  }
0x13: {  	[smem:$0x3FB7] =	sst s0;
	s0 =	simm.s32 @!p1 $0x0  }
0x14: {  	s2 =	sld [smem:$0x3F9B];
	s0 =	simm.s32 @p1 $0x1  }
0x15: {  	[smem:$0x3FB8] =	sst s0;
	s0 =	simm.s32 @!p2 $0x0  }
0x16: {  	s3 =	sld [smem:$0x3FDB];
	s0 =	simm.s32 @p2 $0x1  }
0x17: {  	s4 =	simm.s32 $0x1BF5;
	[smem:$0x3FBA] =	sst s0  }
0x18: {  	s0 =	sld [smem:$0x3F9D];
	_ =	swait.ge [sflag:s4], $0x0  }
0x19: {  	s7 =	sld [smem:$0x3F9E]  }
0x1a: {  	s8 =	sadd.s32 $0xFFFFE003, lr  }
0x1b: {  	s9 =	sadd.s32 $0xFFFFFEF7, lr;
	s5 =	simm.s32 $0xFFFFFFFF;
	p2 =	slt.u32 s8, $0xFFFFF086  }
0x1c: {  	p1 =	slt.u32 s9, $0xF7A;
	s5 =	simm.s32 @!p2 $0x0  }
0x1d: {  	s5 =	simm.s32 @p1 $0x1;
	p0 =	seq.s32 s7, s2  }
0x1e: {  	s7 =	smul.u32 @!p0 $0xF7A, s2;
	p2 =	seq.s32 @!p0 s5, $0x0  }
0x1f: {  	s9 =	smul.u32 $0xF7A, s1;
	s8 =	simm.s32 @!p0 $0x1BF5;
	p2 =	por !p2, p0  }
0x20: {  	[sflag:s8] =	ssyncset.s32 @!p0 $0xFFFFF086;
	s6 =	sadd.s32 @!p0 s3, s7;
	s7 =	simm.s32 @!p0 $0x108  }
0x21: {  	s3 =	sadd.s32 s3, s9;
	s6 =	sadd.s32 @!p0 $0x88, s6;
	s7 =	simm.s32 @p2 $0x1082  }
0x22: {  	[simem:s7], [sflag:s8] =	dma.local @!p0 [hbm:s6], $0xF7A  }
0x23: {  	s9 =	sor.u32 $0xD0000000, s2;
	s6 =	simm.s32 $0x108;
	_ =	swait.ge @!p0 [sflag:s8], $0x0  }
0x24: {  	s3 =	sadd.s32 $0x88, s3;
	s6 =	simm.s32 @!p1 $0x1082;
	[sflag:s4] =	ssyncset.s32 $0xFFFFF086  }
0x25: {  	[simem:s6], [sflag:s4] =	dma.local [hbm:s3], $0xF7A  }
0x26: {  	[smem:$0x3F9E] =	sst s1;
	(tag) =	ssettag s2;
	_ =	strace s9  }
0x27: {  	s1 =	sld [smem:$0x3FAE]  }
0x28: {  	s2 =	sld [smem:$0x3FAF]  }
0x29: {  	s4 =	sld [smem:$0x3FB1]  }
0x2a: {  	p0 =	seq.s32 s5, $0x0;
	s5 =	sld [smem:$0x3FB2]  }
0x2b: {  	s6 =	sld [smem:$0x3FB3]  }
0x2c: {  	s7 =	sld [smem:$0x3FB4]  }
0x2d: {  	s3 =	simm.s32 $0x108;
	s8 =	sld [smem:$0x3FB5]  }
0x2e: {  	s3 =	simm.s32 @!p0 $0x1082;
	s9 =	sld [smem:$0x3FB6]  }
0x2f: {  	lr =	sadd.s32 s0, s3;
	s0 =	sld [smem:$0x3FAD]  }
0x30: {  	s3 =	sld [smem:$0x3FB0]  }
0x31: {  	[smem:$0x3FB9] =	sst s10  }
0x32: {  	s10 =	sld [smem:$0x3FB7];
	_ =	sdelay $0x3  }
0x33: {  	p0 =	seq.s32 s10, $0x1;
	s10 =	sld [smem:$0x3FB9];
	_ =	sdelay $0x3  }
0x34: {  	[smem:$0x3FB9] =	sst s10  }
0x35: {  	s10 =	sld [smem:$0x3FB8];
	_ =	sdelay $0x3  }
0x36: {  	p1 =	seq.s32 s10, $0x1;
	s10 =	sld [smem:$0x3FB9];
	_ =	sdelay $0x3  }
0x37: {  	[smem:$0x3FB9] =	sst s10  }
0x38: {  	s10 =	sld [smem:$0x3FBA]  }
0x39: {  	_ = 	snop;
	(pc) =	sbr.ind lr, $3  }
0x3a: {  	_ = 	snop  }
0x3b: {  	_ = 	snop  }
0x3c: {  	p2 =	seq.s32 s10, $0x1;
	s10 =	sld [smem:$0x3FB9]  }
0x3d: {  	_ =	shalt  }
0x3e: {  	_ =	shalt  }
0x3f: {  	_ =	shalt  }
0x40: {  	_ =	shalt  }
0x41: {  	_ =	shalt  }
0x42: {  	_ =	shalt  }
0x43: {  	_ =	shalt  }
0x44: {  	_ =	shalt  }
0x45: {  	_ =	shalt  }
0x46: {  	_ =	shalt  }
0x47: {  	_ =	shalt  }
0x48: {  	_ =	shalt  }
0x49: {  	_ =	shalt  }
0x4a: {  	_ =	shalt  }
0x4b: {  	_ =	shalt  }
0x4c: {  	_ =	shalt  }
0x4d: {  	_ =	shalt  }
0x4e: {  	_ =	shalt  }
0x4f: {  	_ =	shalt  }
0x50: {  	_ =	shalt  }
0x51: {  	_ =	shalt  }
0x52: {  	_ =	shalt  }
0x53: {  	_ =	shalt  }
0x54: {  	_ =	shalt  }
0x55: {  	_ =	shalt  }
0x56: {  	_ =	shalt  }
0x57: {  	_ =	shalt  }
0x58: {  	_ =	shalt  }
0x59: {  	_ =	shalt  }
0x5a: {  	_ =	shalt  }
0x5b: {  	_ =	shalt  }
0x5c: {  	_ =	shalt  }
0x5d: {  	_ =	shalt  }
0x5e: {  	_ =	shalt  }
0x5f: {  	_ =	shalt  }
0x60: {  	_ =	shalt  }
0x61: {  	_ =	shalt  }
0x62: {  	_ =	shalt  }
0x63: {  	_ =	shalt  }
0x64: {  	_ =	shalt  }
0x65: {  	_ =	shalt  }
0x66: {  	_ =	shalt  }
0x67: {  	_ =	shalt  }
0x68: {  	_ =	shalt  }
0x69: {  	_ =	shalt  }
0x6a: {  	_ =	shalt  }
0x6b: {  	_ =	shalt  }
0x6c: {  	_ =	shalt  }
0x6d: {  	_ =	shalt  }
0x6e: {  	_ =	shalt  }
0x6f: {  	_ =	shalt  }
0x70: {  	_ =	shalt  }
0x71: {  	_ =	shalt  }
0x72: {  	_ =	shalt  }
0x73: {  	_ =	shalt  }
0x74: {  	_ =	shalt  }
0x75: {  	_ =	shalt  }
0x76: {  	_ =	shalt  }
0x77: {  	_ =	shalt  }
0x78: {  	_ =	shalt  }
0x79: {  	_ =	shalt  }
0x7a: {  	_ =	shalt  }
0x7b: {  	_ =	shalt  }
0x7c: {  	_ =	shalt  }
0x7d: {  	_ =	shalt  }
0x7e: {  	_ =	shalt  }
0x7f: {  	_ =	shalt  }
0x80: {  	_ =	shalt  }
0x81: {  	_ =	shalt  }
0x82: {  	_ =	shalt  }
0x83: {  	_ =	shalt  }
0x84: {  	_ =	shalt  }
0x85: {  	_ =	shalt  }
0x86: {  	_ =	shalt  }
0x87: {  	_ =	shalt  }
.Lfunc_end0:
.L_simem_size_0:
called_computation_lowered:
.L_overlay_start_0:
0x88: {  	s2 =	sld [smem:$0x3FD9]  }
0x89: {  	s3 =	sld [smem:$0x3FFE];
	_ =	sdelay $0x1  }
0x8a: {  	s1 =	srdreg.scid  }
0x8b: {  	s0 =	sand.u32 $0x1, s1  }
0x8c: {  	s18 =	sshll.u32 s0, $0xA;
	s2 =	sadd.s32 s3, s2  }
0x8d: {  	s2 =	sadd.s32 s2, s18  }
0x8e: {  	[smem:$0x3FC5] =	sst s2  }
0x8f: {  	_ = 	snop  }
0x90: {  	s2 =	sld [smem:$0x3FC9]  }
0x91: {  	s19 =	sld [smem:$0x3FC8]  }
0x92: {  	s4 =	sld [smem:$0x3FC7]  }
0x93: {  	s5 =	sld [smem:$0x3FD0];
	(tm) =	ssettm $0x1  }
0x94: {  	s6 =	sld [smem:$0x3FFB];
	_ =	sdelay $0x3  }
0x95: {  	_ =	strace s6  }
0x96: {  	s6 =	sld [smem:$0x3FFC];
	_ =	sdelay $0x3  }
0x97: {  	_ =	strace s6  }
0x98: {  	s6 =	sld [smem:$0x3FFD];
	_ =	sdelay $0x3  }
0x99: {  	_ =	strace s6  }
0x9a: {  	_ =	strace $0x8FFFFFFF  }
0x9b: {  	s20 =	sld [smem:$0x3FDB];
	_ =	sdelay $0x1  }
0x9c: {  	s7 =	simm.s32 $_scs_section_size  }
0x9d: {  	s8 =	simm.s32 $_size__tile_overlayer_lowered;
	s9 =	simm.s32 $_tile_overlayer_lowered  }
0x9e: {  	s23 =	simm.s32 $0x1BFF;
	s22 =	sshll.u32 s9, $0x1;
	s6 =	sadd.s32 s7, s20  }
0x9f: {  	s10 =	simm.s32 $0x0;
	s21 =	sshll.u32 s8, $0x1;
	s8 =	sadd.s32 s22, s6  }
0xa0: {  	[timem:s10], [sflag:s23] =	dma.local [hbm:s8], s21  }
0xa1: {  	_ =	swait.ge [sflag:s23], s21  }
0xa2: {  	s7 =	ssub.s32 $0x0, s21;
	[sflag:s23] =	ssyncset.done $0x0  }
0xa3: {  	[sflag:s23] =	ssyncadd.s32 s7;
	_ =	sdelay $0x1  }
0xa4: {  	s24 =	simm.s32 $0x1B8B  }
0xa5: {  	_ =	swait.ge [sflag:s24], $0x1  }
0xa6: {  	[sflag:s24] =	ssyncset.done $0x0  }
0xa7: {  	s25 =	simm.s32 $0x1B8E;
	[sflag:s24] =	ssyncadd.s32 $0xFFFFFFFF  }
0xa8: {  	s26 =	simm.s32 $execute0_lowered;
	[smem:$0x3FD2] =	sst s25  }
0xa9: {  	s7 =	sshll.u32 s26, $0x1;
	_ =	strace $0x80000046;
	[dreg:$0x1] =	wrdreg $0xFFFFFFFF  }
0xaa: {  	s28 =	simm.s32 $_size_execute0_lowered;
	s6 =	sadd.s32 s6, s7;
	[dreg:$0x0] =	wrdreg $0x0  }
0xab: {  	s7 =	sshll.u32 s28, $0x1;
	[dreg:$0x2] =	wrdreg s6  }
0xac: {  	[dreg:$0x3] =	wrdreg s7  }
0xad: {  	[dreg:$0x4] =	wrdreg $0xC0  }
0xae: {  	_ =	task [dreg:s10], $0x5FFFF  }
0xaf: {  	[dreg:$0x1] =	wrdreg $0xFFFFFFFF  }
0xb0: {  	[dreg:$0x0] =	wrdreg $0x60  }
0xb1: {  	[dreg:$0x2] =	wrdreg s2  }
0xb2: {  	[dreg:$0x3] =	wrdreg s19  }
0xb3: {  	[dreg:$0x4] =	wrdreg s4  }
0xb4: {  	[dreg:$0x5] =	wrdreg s5  }
0xb5: {  	[dreg:$0x6] =	wrdreg $0x9  }
0xb6: {  	_ =	task.clear_ibuf [dreg:s10], $0x7FFFF;
	_ =	strace $0x90000046  }
0xb7: {  	s29 =	simm.s32 $0x9;
	_ =	strace $0x80000048  }
0xb8: {  	_ =	swait.ge [sflag:s29], $0x1  }
0xb9: {  	[sflag:s29] =	ssyncadd.s32 $0xFFFFFFFF  }
0xba: {  	_ =	strace $0x90000048  }
0xbb: {  	_ =	sfence  }
0xbc: {  	s30 =	sld [smem:$0x0];
	_ =	sdelay $0x2  }
0xbd: {  	s31 =	sshll.u32 s1, $0xD;
	s1 =	sshrl.u32 s1, $0x2  }
0xbe: {  	s3 =	sand.u32 $0x4000, s31;
	s1 =	sadd.s32 s1, s30  }
0xbf: {  	s0 =	sor.u32 s3, s0;
	s1 =	sshll.u32 s1, $0x11  }
0xc0: {  	s0 =	sor.u32 s1, s0  }
0xc1: {  	s0 =	sadd.s32 $0x8F2B, s0  }
0xc2: {  	[sflag:s0] =	ssyncadd.remote.s32 $0x1  }
0xc3: {  	_ =	sfence.sel $0xFFFF  }
0xc4: {  	[dreg:$0x0] =	wrdreg $0xFFFFFFFF;
	(pc) =	sbr.abs _section_cstart, $3  }
0xc5: {  	[dreg:$0x1] =	wrdreg $0xFFFFFFFF  }
0xc6: {  	_ =	task.clear_ibuf [dreg:s10], $0x2FFFF;
	_ =	strace $0x9FFFFFFF  }
0xc7: {  	(tm) =	ssettm $0x7FFFFFFF  }
tec
execute0_lowered:
.L_overlay_start_1:
0x0: {  	(tag) =	ssettag $0x1  }
0x1: {  	s1 =	rddreg [dreg:$0x0]  }
0x2: {  	s2 =	rddreg [dreg:$0x1]  }
0x3: {  	s3 =	rddreg [dreg:$0x2]  }
0x4: {  	s0 =	srdreg.scid;
	s4 =	rddreg [dreg:$0x3];
	s6 =	simm.s32 $0x0  }
0x5: {  	s5 =	stileid.u32;
	s10 =	simm.s32 $0x80;
	s11 =	simm.s32 $0x50  }
0x6: {  	s12 =	simm.s32 $0x100;
	s13 =	simm.s32 $0x1;
	s7 =	sand.u32 $0x1, s0  }
0x7: {  	v0 =	vlaneseq.u32;
	s14 =	simm.s32 $0x0;
	s0 =	rddreg [dreg:$0x4];
	s8 =	ssub.s32 $0x2, s7  }
0x8: {  	[smem:$0x7FF] =	sst s6;
	v1 =	vor.u32 $0x10, v0;
	s7 =	sshll.u32 s7, $0x4;
	s9 =	sshrl.u32 s8, $0x1  }
0x9: {  	v2 =	vor.u32 $0x20, v0;
	v3 =	vor.u32 $0x30, v0;
	v4 =	vor.u32 $0x40, v0;
	_ =	strace $0x80000047;
	s7 =	sor.u32 s5, s7;
	s8 =	ssub.s32 s8, s9  }
0xa: {  	v5 =	vor.u32 $0x50, v0;
	v6 =	vor.u32 $0x60, v0;
	v7 =	vor.u32 $0x70, v0;
	s7 =	smul.u32 $0x2710, s7;
	s9 =	simm.s32 $0x2;
	s8 =	smax.u32 s8, $0x1  }
.LBB2_1:
0xb: {  	s15 =	simm.s32 $0x0  }
.LBB2_2:
0xc: {  	s16 =	smul.u32 $0x50, s15;
	_ =	sdelay $0x1  }
0xd: {  	s16 =	sadd.s32 s7, s16  }
0xe: {  	s18 =	sshrl.u32 s16, $0x3  }
0xf: {  	s17 =	simm.s32 $0x0;
	s19 =	sadd.s32 s2, s18  }
0x10: {  	[tilespmem:s17], [sflag:$0x2] =	stream.linear.gather [hbm4b:s19+s17], $0x50, $0x38;
	[tilespmem:$0x2900] =	vst v63  }
0x11: {  	_ =	swait.ge [sflag:s9], $0x50  }
0x12: {  	[sflag:s9] =	ssyncset.done $0x0  }
0x13: {  	s18 =	sadd.s32 s3, s18;
	[sflag:s9] =	ssyncadd.s32 $0xFFFFFFB0  }
0x14: {  	[tilespmem:s10], [sflag:$0x2] =	stream.linear.gather [hbm4b:s18+s17], $0x50, $0x38;
	[tilespmem:$0x2900] =	vst v63  }
0x15: {  	_ =	swait.ge [sflag:s9], $0x50  }
0x16: {  	[sflag:s9] =	ssyncset.done $0x0  }
0x17: {  	[sflag:s9] =	ssyncadd.s32 $0xFFFFFFB0  }
0x18: {  	[tilespmem:s12], [sflag:$0x1] =	stream.indirect.gather [hbm4b:s1+s11], $0x80, s17, s11, $0xb8;
	[tilespmem:$0x2900] =	vst v63  }
0x19: {  	_ =	swait.ge [sflag:s13], $0x2800  }
0x1a: {  	[sflag:s13] =	ssyncset.done $0x0  }
0x1b: {  	[sflag:s13] =	ssyncadd.s32 $0xFFFFD800  }
.LBB2_3:
0x1c: {  	v8 =	vmov s17  }
0x1d: {  	v9 =	vshll.u32 v8, $0x7  }
0x1e: {  	v10 =	vor.u32 v0, v9;
	_ =	sdelay $0x3  }
0x1f: {  	v8 =	vld.idx.msk [tilespmem:v8+s10+$0x0], $0xffff  }
0x20: {  	v11 =	vld.idx.msk [tilespmem:v10+s12+$0x0], $0xffff;
	_ =	sdelay $0x2  }
0x21: {  	v12 =	vor.u32 v1, v9;
	_ =	sdelay $0x1  }
0x22: {  	v11 =	vmul.f32 v11, v8;
	_ =	sdelay $0x1  }
0x23: {  	[tilespmem:v10+s12+$0x0] =	vst.idx.msk $0xffff, v11  }
0x24: {  	v10 =	vld.idx.msk [tilespmem:v12+s12+$0x0], $0xffff;
	_ =	sdelay $0x2  }
0x25: {  	v28 =	vor.u32 v2, v9;
	_ =	sdelay $0x1  }
0x26: {  	v10 =	vmul.f32 v10, v8;
	_ =	sdelay $0x1  }
0x27: {  	[tilespmem:v12+s12+$0x0] =	vst.idx.msk $0xffff, v10  }
0x28: {  	v10 =	vld.idx.msk [tilespmem:v28+s12+$0x0], $0xffff;
	_ =	sdelay $0x2  }
0x29: {  	v29 =	vor.u32 v3, v9;
	_ =	sdelay $0x1  }
0x2a: {  	v10 =	vmul.f32 v10, v8;
	_ =	sdelay $0x1  }
0x2b: {  	[tilespmem:v28+s12+$0x0] =	vst.idx.msk $0xffff, v10  }
0x2c: {  	v10 =	vld.idx.msk [tilespmem:v29+s12+$0x0], $0xffff;
	_ =	sdelay $0x2  }
0x2d: {  	v30 =	vor.u32 v4, v9;
	_ =	sdelay $0x1  }
0x2e: {  	v10 =	vmul.f32 v10, v8;
	_ =	sdelay $0x1  }
0x2f: {  	[tilespmem:v29+s12+$0x0] =	vst.idx.msk $0xffff, v10  }
0x30: {  	v10 =	vld.idx.msk [tilespmem:v30+s12+$0x0], $0xffff;
	_ =	sdelay $0x2  }
0x31: {  	v31 =	vor.u32 v5, v9;
	_ =	sdelay $0x1  }
0x32: {  	v10 =	vmul.f32 v10, v8;
	_ =	sdelay $0x1  }
0x33: {  	[tilespmem:v30+s12+$0x0] =	vst.idx.msk $0xffff, v10  }
0x34: {  	v10 =	vld.idx.msk [tilespmem:v31+s12+$0x0], $0xffff;
	_ =	sdelay $0x2  }
0x35: {  	v32 =	vor.u32 v6, v9;
	_ =	sdelay $0x1  }
0x36: {  	v10 =	vmul.f32 v10, v8;
	_ =	sdelay $0x1  }
0x37: {  	[tilespmem:v31+s12+$0x0] =	vst.idx.msk $0xffff, v10  }
0x38: {  	v10 =	vld.idx.msk [tilespmem:v32+s12+$0x0], $0xffff;
	_ =	sdelay $0x2  }
0x39: {  	v9 =	vor.u32 v7, v9;
	_ =	sdelay $0x1  }
0x3a: {  	v10 =	vmul.f32 v10, v8;
	_ =	sdelay $0x1  }
0x3b: {  	[tilespmem:v32+s12+$0x0] =	vst.idx.msk $0xffff, v10  }
0x3c: {  	v10 =	vld.idx.msk [tilespmem:v9+s12+$0x0], $0xffff  }
0x3d: {  	s18 =	sadd.s32 $0x1, s17  }
0x3e: {  	v33 =	vmov s18  }
0x3f: {  	v34 =	vshll.u32 v33, $0x7  }
0x40: {  	v13 =	vor.u32 v0, v34  }
0x41: {  	v8 =	vmul.f32 v10, v8;
	_ =	sdelay $0x1  }
0x42: {  	[tilespmem:v9+s12+$0x0] =	vst.idx.msk $0xffff, v8  }
0x43: {  	v8 =	vld.idx.msk [tilespmem:v33+s10+$0x0], $0xffff  }
0x44: {  	v9 =	vld.idx.msk [tilespmem:v13+s12+$0x0], $0xffff;
	_ =	sdelay $0x2  }
0x45: {  	v35 =	vor.u32 v1, v34;
	_ =	sdelay $0x1  }
0x46: {  	v9 =	vmul.f32 v9, v8;
	_ =	sdelay $0x1  }
0x47: {  	[tilespmem:v13+s12+$0x0] =	vst.idx.msk $0xffff, v9  }
0x48: {  	v9 =	vld.idx.msk [tilespmem:v35+s12+$0x0], $0xffff;
	_ =	sdelay $0x2  }
0x49: {  	v36 =	vor.u32 v2, v34;
	_ =	sdelay $0x1  }
0x4a: {  	v9 =	vmul.f32 v9, v8;
	_ =	sdelay $0x1  }
0x4b: {  	[tilespmem:v35+s12+$0x0] =	vst.idx.msk $0xffff, v9  }
0x4c: {  	v9 =	vld.idx.msk [tilespmem:v36+s12+$0x0], $0xffff;
	_ =	sdelay $0x2  }
0x4d: {  	v37 =	vor.u32 v3, v34;
	_ =	sdelay $0x1  }
0x4e: {  	v9 =	vmul.f32 v9, v8;
	_ =	sdelay $0x1  }
0x4f: {  	[tilespmem:v36+s12+$0x0] =	vst.idx.msk $0xffff, v9  }
0x50: {  	v9 =	vld.idx.msk [tilespmem:v37+s12+$0x0], $0xffff;
	_ =	sdelay $0x2  }
0x51: {  	v38 =	vor.u32 v4, v34;
	_ =	sdelay $0x1  }
0x52: {  	v9 =	vmul.f32 v9, v8;
	_ =	sdelay $0x1  }
0x53: {  	[tilespmem:v37+s12+$0x0] =	vst.idx.msk $0xffff, v9  }
0x54: {  	v9 =	vld.idx.msk [tilespmem:v38+s12+$0x0], $0xffff;
	_ =	sdelay $0x2  }
0x55: {  	v39 =	vor.u32 v5, v34;
	_ =	sdelay $0x1  }
0x56: {  	v9 =	vmul.f32 v9, v8;
	_ =	sdelay $0x1  }
0x57: {  	[tilespmem:v38+s12+$0x0] =	vst.idx.msk $0xffff, v9  }
0x58: {  	v9 =	vld.idx.msk [tilespmem:v39+s12+$0x0], $0xffff;
	_ =	sdelay $0x2  }
0x59: {  	v40 =	vor.u32 v6, v34;
	_ =	sdelay $0x1  }
0x5a: {  	v9 =	vmul.f32 v9, v8;
	_ =	sdelay $0x1  }
0x5b: {  	[tilespmem:v39+s12+$0x0] =	vst.idx.msk $0xffff, v9  }
0x5c: {  	v9 =	vld.idx.msk [tilespmem:v40+s12+$0x0], $0xffff;
	_ =	sdelay $0x2  }
0x5d: {  	v41 =	vor.u32 v7, v34;
	_ =	sdelay $0x1  }
0x5e: {  	v9 =	vmul.f32 v9, v8;
	_ =	sdelay $0x1  }
0x5f: {  	[tilespmem:v40+s12+$0x0] =	vst.idx.msk $0xffff, v9  }
0x60: {  	v9 =	vld.idx.msk [tilespmem:v41+s12+$0x0], $0xffff  }
0x61: {  	s30 =	sadd.s32 $0x2, s17  }
0x62: {  	v42 =	vmov s30  }
0x63: {  	v43 =	vshll.u32 v42, $0x7  }
0x64: {  	v44 =	vor.u32 v0, v43  }
0x65: {  	v8 =	vmul.f32 v9, v8;
	_ =	sdelay $0x1  }
0x66: {  	[tilespmem:v41+s12+$0x0] =	vst.idx.msk $0xffff, v8  }
0x67: {  	v8 =	vld.idx.msk [tilespmem:v42+s10+$0x0], $0xffff  }
0x68: {  	v45 =	vld.idx.msk [tilespmem:v44+s12+$0x0], $0xffff;
	_ =	sdelay $0x2  }
0x69: {  	v46 =	vor.u32 v1, v43;
	_ =	sdelay $0x1  }
0x6a: {  	v9 =	vmul.f32 v45, v8;
	_ =	sdelay $0x1  }
0x6b: {  	[tilespmem:v44+s12+$0x0] =	vst.idx.msk $0xffff, v9  }
0x6c: {  	v9 =	vld.idx.msk [tilespmem:v46+s12+$0x0], $0xffff;
	_ =	sdelay $0x2  }
0x6d: {  	v47 =	vor.u32 v2, v43;
	_ =	sdelay $0x1  }
0x6e: {  	v9 =	vmul.f32 v9, v8;
	_ =	sdelay $0x1  }
0x6f: {  	[tilespmem:v46+s12+$0x0] =	vst.idx.msk $0xffff, v9  }
0x70: {  	v9 =	vld.idx.msk [tilespmem:v47+s12+$0x0], $0xffff;
	_ =	sdelay $0x2  }
0x71: {  	v48 =	vor.u32 v3, v43;
	_ =	sdelay $0x1  }
0x72: {  	v9 =	vmul.f32 v9, v8;
	_ =	sdelay $0x1  }
0x73: {  	[tilespmem:v47+s12+$0x0] =	vst.idx.msk $0xffff, v9  }
0x74: {  	v9 =	vld.idx.msk [tilespmem:v48+s12+$0x0], $0xffff;
	_ =	sdelay $0x2  }
0x75: {  	v49 =	vor.u32 v4, v43;
	_ =	sdelay $0x1  }
0x76: {  	v9 =	vmul.f32 v9, v8;
	_ =	sdelay $0x1  }
0x77: {  	[tilespmem:v48+s12+$0x0] =	vst.idx.msk $0xffff, v9  }
0x78: {  	v9 =	vld.idx.msk [tilespmem:v49+s12+$0x0], $0xffff;
	_ =	sdelay $0x2  }
0x79: {  	v50 =	vor.u32 v5, v43;
	_ =	sdelay $0x1  }
0x7a: {  	v9 =	vmul.f32 v9, v8;
	_ =	sdelay $0x1  }
0x7b: {  	[tilespmem:v49+s12+$0x0] =	vst.idx.msk $0xffff, v9  }
0x7c: {  	v9 =	vld.idx.msk [tilespmem:v50+s12+$0x0], $0xffff;
	_ =	sdelay $0x2  }
0x7d: {  	v51 =	vor.u32 v6, v43;
	_ =	sdelay $0x1  }
0x7e: {  	v9 =	vmul.f32 v9, v8;
	_ =	sdelay $0x1  }
0x7f: {  	[tilespmem:v50+s12+$0x0] =	vst.idx.msk $0xffff, v9  }
0x80: {  	v9 =	vld.idx.msk [tilespmem:v51+s12+$0x0], $0xffff;
	_ =	sdelay $0x2  }
0x81: {  	v52 =	vor.u32 v7, v43;
	_ =	sdelay $0x1  }
0x82: {  	v9 =	vmul.f32 v9, v8;
	_ =	sdelay $0x1  }
0x83: {  	[tilespmem:v51+s12+$0x0] =	vst.idx.msk $0xffff, v9  }
0x84: {  	v9 =	vld.idx.msk [tilespmem:v52+s12+$0x0], $0xffff  }
0x85: {  	s31 =	sadd.s32 $0x3, s17  }
0x86: {  	v53 =	vmov s31  }
0x87: {  	v54 =	vshll.u32 v53, $0x7  }
0x88: {  	v55 =	vor.u32 v0, v54  }
0x89: {  	v8 =	vmul.f32 v9, v8;
	_ =	sdelay $0x1  }
0x8a: {  	[tilespmem:v52+s12+$0x0] =	vst.idx.msk $0xffff, v8  }
0x8b: {  	v8 =	vld.idx.msk [tilespmem:v53+s10+$0x0], $0xffff  }
0x8c: {  	v56 =	vld.idx.msk [tilespmem:v55+s12+$0x0], $0xffff;
	_ =	sdelay $0x2  }
0x8d: {  	v57 =	vor.u32 v1, v54;
	_ =	sdelay $0x1  }
0x8e: {  	v9 =	vmul.f32 v56, v8;
	_ =	sdelay $0x1  }
0x8f: {  	[tilespmem:v55+s12+$0x0] =	vst.idx.msk $0xffff, v9  }
0x90: {  	v9 =	vld.idx.msk [tilespmem:v57+s12+$0x0], $0xffff;
	_ =	sdelay $0x2  }
0x91: {  	v58 =	vor.u32 v2, v54;
	_ =	sdelay $0x1  }
0x92: {  	v9 =	vmul.f32 v9, v8;
	_ =	sdelay $0x1  }
0x93: {  	[tilespmem:v57+s12+$0x0] =	vst.idx.msk $0xffff, v9  }
0x94: {  	v9 =	vld.idx.msk [tilespmem:v58+s12+$0x0], $0xffff;
	_ =	sdelay $0x2  }
0x95: {  	v59 =	vor.u32 v3, v54;
	_ =	sdelay $0x1  }
0x96: {  	v9 =	vmul.f32 v9, v8;
	_ =	sdelay $0x1  }
0x97: {  	[tilespmem:v58+s12+$0x0] =	vst.idx.msk $0xffff, v9  }
0x98: {  	v9 =	vld.idx.msk [tilespmem:v59+s12+$0x0], $0xffff;
	_ =	sdelay $0x2  }
0x99: {  	v60 =	vor.u32 v4, v54;
	_ =	sdelay $0x1  }
0x9a: {  	v9 =	vmul.f32 v9, v8;
	_ =	sdelay $0x1  }
0x9b: {  	[tilespmem:v59+s12+$0x0] =	vst.idx.msk $0xffff, v9  }
0x9c: {  	v9 =	vld.idx.msk [tilespmem:v60+s12+$0x0], $0xffff;
	_ =	sdelay $0x2  }
0x9d: {  	v61 =	vor.u32 v5, v54;
	_ =	sdelay $0x1  }
0x9e: {  	v9 =	vmul.f32 v9, v8;
	_ =	sdelay $0x1  }
0x9f: {  	[tilespmem:v60+s12+$0x0] =	vst.idx.msk $0xffff, v9  }
0xa0: {  	v9 =	vld.idx.msk [tilespmem:v61+s12+$0x0], $0xffff;
	_ =	sdelay $0x2  }
0xa1: {  	v62 =	vor.u32 v6, v54;
	_ =	sdelay $0x1  }
0xa2: {  	v9 =	vmul.f32 v9, v8;
	_ =	sdelay $0x1  }
0xa3: {  	[tilespmem:v61+s12+$0x0] =	vst.idx.msk $0xffff, v9  }
0xa4: {  	v9 =	vld.idx.msk [tilespmem:v62+s12+$0x0], $0xffff;
	_ =	sdelay $0x2  }
0xa5: {  	v63 =	vor.u32 v7, v54;
	_ =	sdelay $0x1  }
0xa6: {  	v9 =	vmul.f32 v9, v8;
	_ =	sdelay $0x1  }
0xa7: {  	[tilespmem:v62+s12+$0x0] =	vst.idx.msk $0xffff, v9  }
0xa8: {  	v9 =	vld.idx.msk [tilespmem:v63+s12+$0x0], $0xffff;
	_ =	sdelay $0x1  }
0xa9: {  	p0 =	slt.u32 s17, $0x4C  }
.Ltmp0:
0xaa: {  	_ = 	snop;
	(pc) =	sbr.rel @p0 .LBB2_3-.Ltmp0, $3  }
0xab: {  	_ = 	snop  }
0xac: {  	v8 =	vmul.f32 v9, v8;
	_ =	sdelay $0x1  }
0xad: {  	s17 =	sadd.s32 $0x4, s17;
	[tilespmem:v63+s12+$0x0] =	vst.idx.msk $0xffff, v8  }
0xae: {  	s15 =	sadd.s32 $0x1, s15  }
0xaf: {  	s16 =	sshll.u32 s16, $0x4;
	p0 =	sne.s32 s15, $0x7D  }
.Ltmp1:
0xb0: {  	s16 =	sadd.s32 s4, s16;
	(pc) =	sbr.rel @p0 .LBB2_2-.Ltmp1, $4  }
0xb1: {  	[hbm4b:s16+s6] =	stream.linear.scatter [tilespmem:s12], [sflag:$0x2], $0x2800, $0x38;
	[tilespmem:$0x2900] =	vst v63  }
0xb2: {  	_ =	swait.ge [sflag:s9], $0x2800  }
0xb3: {  	[sflag:s9] =	ssyncset.done $0x0  }
0xb4: {  	[sflag:s9] =	ssyncadd.s32 $0xFFFFD800  }
0xb5: {  	s14 =	sadd.s32 $0x1, s14  }
0xb6: {  	p0 =	sne.s32 s14, s8  }
.Ltmp2:
0xb7: {  	_ = 	snop;
	(pc) =	sbr.rel @p0 .LBB2_1-.Ltmp2, $1  }
0xb8: {  	_ =	sdelay $0x3  }
0xb9: {  	_ =	sfence.sel $0x180000  }
0xba: {  	[bflag:$0x0] =	sbarrier.arrive $0xFFFF  }
0xbb: {  	p0 =	sne.s32 s5, $0x0;
	_ =	strace $0x90000047  }
0xbc: {  	s0 =	sadd.s32 @!p0 $0x100000, s0;
	[bflag:$0x2] =	sbarrier.arrive $0xFFFF  }
0xbd: {  	[sflag:s0] =	ssyncadd.tile.s32 @!p0 $0x1;
	_ =	shalt  }
.Lfunc_end2:
_tile_overlayer_lowered:
.L_overlay_start_2:
0xbe: {  	(tag) =	ssettag $0x2  }
0xbf: {  	s0 =	rddreg [dreg:$0x0];
	s2 =	stileid.u32  }
0xc0: {  	s1 =	rddreg [dreg:$0x1];
	p0 =	sne.s32 s2, $0x0  }
0xc1: {  	s3 =	rddreg [dreg:$0x2];
	[bflag:$0x3] =	sbarrier.arrive $0xFFFF;
	s2 =	simm.s32 @!p0 $0x1C02  }
0xc2: {  	[timem:s3], [sflag:s2] =	dma.local @!p0 [hbm:s0], s1  }
0xc3: {  	s0 =	simm.s32 @!p0 $0x2  }
0xc4: {  	_ =	swait.ge @!p0 [sflag:s0], s1  }
0xc5: {  	s1 =	ssub.s32 @!p0 $0x0, s1;
	[sflag:s0] =	ssyncset.done @!p0 $0x0  }
0xc6: {  	[sflag:s0] =	ssyncadd.s32 @!p0 s1  }
0xc7: {  	[bflag:$0x3] =	sbarrier.arrive $0xFFFF  }
0xc8: {  	_ =	shalt  }

</sc_bundles>
